<compile_context>
chip_gen: v7x
topology: tpu7x:2x2x1
jax: 0.10.2.dev20260603
libtpu: 0.0.44.dev20260713+nightly
codegen_flags: <defaults>
</compile_context>

<pallas_src>
import functools

import jax
import jax.numpy as jnp
from jax import lax
from jax.experimental import pallas as pl
from jax.experimental.pallas import tpu as pltpu
from jax.experimental.pallas import tpu_sc as plsc

NUM_EMB = 20000
D = 512
BATCH = 4096
HIST = 50
B = BATCH * HIST

_info = plsc.get_sparse_core_info()
_NC, _NS = _info.num_cores, _info.num_subcores
NW = _NC * _NS
B_PER_W = B // NW
CHUNK = 80
NCHUNK = B_PER_W // CHUNK
NPAIR = NCHUNK // 2


def _emb_body(table_hbm, idx_hbm, out_hbm, idx_v, rows0, rows1, sem0, sem1):
    wid = lax.axis_index("s") * _NC + lax.axis_index("c")
    base = wid * B_PER_W
    rows = (rows0, rows1)
    sems = (sem0, sem1)
    pltpu.sync_copy(idx_hbm.at[wid], idx_v)

    pltpu.async_copy(table_hbm.at[idx_v.at[0]], rows0, sem0)
    pltpu.async_copy(table_hbm.at[idx_v.at[1]], rows1, sem1)

    def outer(i, carry):
        for b in range(2):
            c = 2 * i + b
            pltpu.make_async_copy(table_hbm.at[idx_v.at[c]], rows[b], sems[b]).wait()
            pltpu.sync_copy(rows[b], out_hbm.at[pl.ds(base + c * CHUNK, CHUNK)])
            pltpu.async_copy(table_hbm.at[idx_v.at[c + 2]], rows[b], sems[b])
        return carry

    lax.fori_loop(0, NPAIR - 1, outer, 0)

    for b in range(2):
        c = NCHUNK - 2 + b
        pltpu.make_async_copy(table_hbm.at[idx_v.at[c]], rows[b], sems[b]).wait()
        pltpu.sync_copy(rows[b], out_hbm.at[pl.ds(base + c * CHUNK, CHUNK)])


@jax.jit
def _emb(table, idx3):
    run = pl.kernel(
        _emb_body,
        out_type=jax.ShapeDtypeStruct((B, D), jnp.float32),
        mesh=plsc.VectorSubcoreMesh(core_axis_name="c", subcore_axis_name="s"),
        scratch_types=[
            pltpu.VMEM((NCHUNK, CHUNK), jnp.int32),
            pltpu.VMEM((CHUNK, D), jnp.float32),
            pltpu.VMEM((CHUNK, D), jnp.float32),
            pltpu.SemaphoreType.DMA,
            pltpu.SemaphoreType.DMA,
        ],
    )
    return run(table, idx3)


def kernel(indices, weight):
    idx3 = indices.astype(jnp.int32).T.reshape(NW, NCHUNK, CHUNK)
    flat = _emb(weight, idx3)
    return flat.reshape(HIST, BATCH, D).transpose(1, 0, 2)

# --- scband reference (transcript-rebuilt; emitter-appended) ---
"""Pipeline reference for scband-my-embedding-41927470743662 (READ-ONLY COPY).

The authoritative reference and input builder live on the scoring server;
editing this copy changes nothing except your own understanding.
"""

import jax, jax.numpy as jnp
import numpy as np

NUM_EMBEDDINGS = 20000
EMBED_DIM = 512
BATCH = 4096
HIST_LEN = 50


def setup_inputs(seed: int = 0) -> dict:
    key = jax.random.key(seed)
    k_idx, k_w = jax.random.split(key)
    indices = jax.random.randint(k_idx, (BATCH, HIST_LEN), 0, NUM_EMBEDDINGS, dtype=jnp.int32).astype(jnp.int64)
    weight = jax.random.normal(k_w, (NUM_EMBEDDINGS, EMBED_DIM), dtype=jnp.float32)
    return {"indices": indices, "weight": weight}


def reference(indices, weight):
    # Faithful translation of nn.Embedding forward: gather rows of the table.
    return jnp.take(weight, indices, axis=0)

if __name__ == "__main__":
    import jax
    _d = setup_inputs()
    print(jax.jit(kernel)(*tuple(_d.values())))

</pallas_src>

<mosaic_0001>
#map = affine_map<(d0, d1) -> (0, 0)>
#map1 = affine_map<(d0, d1) -> (0, 0, 0)>
module attributes {stable_mosaic.version = 14 : i64} {
  func.func @_emb_body(%arg0: i32, %arg1: i32, %arg2: memref<20000x512xf32, #tpu.memory_space<hbm>>, %arg3: memref<32x80x80xi32, #tpu.memory_space<hbm>>, %arg4: memref<204800x512xf32, #tpu.memory_space<hbm>>, %arg5: memref<80x80xi32, #tpu.memory_space<vmem>>, %arg6: memref<80x512xf32, #tpu.memory_space<vmem>>, %arg7: memref<80x512xf32, #tpu.memory_space<vmem>>, %arg8: memref<!tpu.dma_semaphore, #tpu.memory_space<semaphore_mem>>, %arg9: memref<!tpu.dma_semaphore, #tpu.memory_space<semaphore_mem>>) attributes {dimension_semantics = [#tpu.dimension_semantics<core_parallel>, #tpu.dimension_semantics<subcore_parallel>], iteration_bounds = array<i64: 2, 16>, scalar_prefetch = 0 : i64, scratch_operands = 5 : i64, tpu.core_type = #tpu.core_type<sc_vector_subcore>, window_params = [{transform_indices = #map}, {transform_indices = #map1}, {transform_indices = #map}]} {
    %mul3A = arith.constant 2 : i32
    %mul3A_0 = arith.muli %arg1, %mul3A : i32
    %add3A = arith.addi %mul3A_0, %arg0 : i32
    %mul3A_1 = arith.constant 6400 : i32
    %mul3A_2 = arith.muli %add3A, %mul3A_1 : i32
    "tpu.region"() ({
      %run_scoped3A = tpu.sem_alloc : memref<!tpu.dma_semaphore, #tpu.memory_space<semaphore_mem>>
      %dma_start3A_38 = arith.constant 0 : i32
      %dma_start3A_39 = arith.constant 0 : i32
      %dma_start3A_40 = tpu.memref_slice %arg3[%add3A, %dma_start3A_38, %dma_start3A_39] : memref<32x80x80xi32, #tpu.memory_space<hbm>> -> memref<1x80x80xi32, #tpu.memory_space<hbm>>
      %dma_start3A_41 = tpu.memref_squeeze %dma_start3A_40 : memref<1x80x80xi32, #tpu.memory_space<hbm>> -> memref<80x80xi32, #tpu.memory_space<hbm>>
      %dma_start3A_42 = arith.constant 0 : i32
      %dma_start3A_43 = arith.constant 0 : i32
      %dma_start3A_44 = tpu.memref_slice %arg3[%add3A, %dma_start3A_42, %dma_start3A_43] : memref<32x80x80xi32, #tpu.memory_space<hbm>> -> memref<1x80x80xi32, #tpu.memory_space<hbm>>
      %dma_start3A_45 = tpu.memref_squeeze %dma_start3A_44 : memref<1x80x80xi32, #tpu.memory_space<hbm>> -> memref<80x80xi32, #tpu.memory_space<hbm>>
      tpu.enqueue_dma source(%dma_start3A_45 : memref<80x80xi32, #tpu.memory_space<hbm>>) target(%arg5 : memref<80x80xi32, #tpu.memory_space<vmem>>) target_semaphore(%run_scoped3A : memref<!tpu.dma_semaphore, #tpu.memory_space<semaphore_mem>>)
      %dma_wait3A_46 = arith.constant 0 : i32
      %dma_wait3A_47 = arith.constant 0 : i32
      %dma_wait3A_48 = tpu.memref_slice %arg3[%add3A, %dma_wait3A_46, %dma_wait3A_47] : memref<32x80x80xi32, #tpu.memory_space<hbm>> -> memref<1x80x80xi32, #tpu.memory_space<hbm>>
      %dma_wait3A_49 = tpu.memref_squeeze %dma_wait3A_48 : memref<1x80x80xi32, #tpu.memory_space<hbm>> -> memref<80x80xi32, #tpu.memory_space<hbm>>
      %dma_wait3A_50 = arith.constant 0 : i32
      %dma_wait3A_51 = arith.constant 0 : i32
      %dma_wait3A_52 = tpu.memref_slice %arg3[%add3A, %dma_wait3A_50, %dma_wait3A_51] : memref<32x80x80xi32, #tpu.memory_space<hbm>> -> memref<1x80x80xi32, #tpu.memory_space<hbm>>
      %dma_wait3A_53 = tpu.memref_squeeze %dma_wait3A_52 : memref<1x80x80xi32, #tpu.memory_space<hbm>> -> memref<80x80xi32, #tpu.memory_space<hbm>>
      tpu.wait_dma2 semaphore(%run_scoped3A : memref<!tpu.dma_semaphore, #tpu.memory_space<semaphore_mem>>) src(%dma_wait3A_53 : memref<80x80xi32, #tpu.memory_space<hbm>>) dst(%arg5 : memref<80x80xi32, #tpu.memory_space<vmem>>)
      tpu.yield
    }) : () -> ()
    %dma_start3A = arith.constant 0 : i32
    %dma_start3A_3 = arith.constant 0 : i32
    %dma_start3A_4 = tpu.memref_slice %arg5[%dma_start3A, %dma_start3A_3] : memref<80x80xi32, #tpu.memory_space<vmem>> -> memref<1x80xi32, #tpu.memory_space<vmem>>
    %dma_start3A_5 = tpu.memref_squeeze %dma_start3A_4 : memref<1x80xi32, #tpu.memory_space<vmem>> -> memref<80xi32, #tpu.memory_space<vmem>>
    %dma_start3A_6 = arith.constant 0 : i32
    %dma_start3A_7 = arith.constant 0 : i32
    %dma_start3A_8 = tpu.memref_slice %arg2[%dma_start3A_6, %dma_start3A_7] : memref<20000x512xf32, #tpu.memory_space<hbm>> -> memref<20000x512xf32, #tpu.memory_space<hbm>>
    tpu.enqueue_indirect_dma source(%dma_start3A_8 : memref<20000x512xf32, #tpu.memory_space<hbm>>) target(%arg6 : memref<80x512xf32, #tpu.memory_space<vmem>>) offsets(%dma_start3A_5 : memref<80xi32, #tpu.memory_space<vmem>>) semaphore(%arg8 : memref<!tpu.dma_semaphore, #tpu.memory_space<semaphore_mem>>)
    %dma_start3A_9 = arith.constant 1 : i32
    %dma_start3A_10 = arith.constant 0 : i32
    %dma_start3A_11 = tpu.memref_slice %arg5[%dma_start3A_9, %dma_start3A_10] : memref<80x80xi32, #tpu.memory_space<vmem>> -> memref<1x80xi32, #tpu.memory_space<vmem>>
    %dma_start3A_12 = tpu.memref_squeeze %dma_start3A_11 : memref<1x80xi32, #tpu.memory_space<vmem>> -> memref<80xi32, #tpu.memory_space<vmem>>
    %dma_start3A_13 = arith.constant 0 : i32
    %dma_start3A_14 = arith.constant 0 : i32
    %dma_start3A_15 = tpu.memref_slice %arg2[%dma_start3A_13, %dma_start3A_14] : memref<20000x512xf32, #tpu.memory_space<hbm>> -> memref<20000x512xf32, #tpu.memory_space<hbm>>
    tpu.enqueue_indirect_dma source(%dma_start3A_15 : memref<20000x512xf32, #tpu.memory_space<hbm>>) target(%arg7 : memref<80x512xf32, #tpu.memory_space<vmem>>) offsets(%dma_start3A_12 : memref<80xi32, #tpu.memory_space<vmem>>) semaphore(%arg9 : memref<!tpu.dma_semaphore, #tpu.memory_space<semaphore_mem>>)
    %scan3A = arith.constant 0 : i32
    %scan3A_16 = arith.constant 0 : i32
    %scan3A_17 = arith.constant 39 : i32
    %scan3A_18 = arith.addi %scan3A_16, %scan3A_17 : i32
    %scan3A_19 = arith.constant 1 : i32
    scf.for %scan3A_38 = %scan3A_16 to %scan3A_18 step %scan3A_19  : i32 {
      %mul3A_39 = arith.constant 2 : i32
      %mul3A_40 = arith.muli %mul3A_39, %scan3A_38 : i32
      %add3A_41 = arith.constant 0 : i32
      %add3A_42 = arith.addi %mul3A_40, %add3A_41 : i32
      %dma_wait3A_43 = arith.constant 0 : i32
      %dma_wait3A_44 = tpu.memref_slice %arg5[%add3A_42, %dma_wait3A_43] : memref<80x80xi32, #tpu.memory_space<vmem>> -> memref<1x80xi32, #tpu.memory_space<vmem>>
      %dma_wait3A_45 = tpu.memref_squeeze %dma_wait3A_44 : memref<1x80xi32, #tpu.memory_space<vmem>> -> memref<80xi32, #tpu.memory_space<vmem>>
      %dma_wait3A_46 = arith.constant 0 : i32
      %dma_wait3A_47 = arith.constant 0 : i32
      %dma_wait3A_48 = tpu.memref_slice %arg2[%dma_wait3A_46, %dma_wait3A_47] : memref<20000x512xf32, #tpu.memory_space<hbm>> -> memref<20000x512xf32, #tpu.memory_space<hbm>>
      tpu.wait_indirect_dma semaphore(%arg8 : memref<!tpu.dma_semaphore, #tpu.memory_space<semaphore_mem>>) src(%dma_wait3A_48 : memref<20000x512xf32, #tpu.memory_space<hbm>>) dst(%arg6 : memref<80x512xf32, #tpu.memory_space<vmem>>)
      %mul3A_49 = arith.constant 80 : i32
      %mul3A_50 = arith.muli %add3A_42, %mul3A_49 : i32
      %add3A_51 = arith.addi %mul3A_2, %mul3A_50 : i32
      "tpu.region"() ({
        %run_scoped3A = tpu.sem_alloc : memref<!tpu.dma_semaphore, #tpu.memory_space<semaphore_mem>>
        %dma_start3A_81 = arith.constant 0 : i32
        %dma_start3A_82 = tpu.memref_slice %arg4[%add3A_51, %dma_start3A_81] : memref<204800x512xf32, #tpu.memory_space<hbm>> -> memref<80x512xf32, #tpu.memory_space<hbm>>
        %dma_start3A_83 = arith.constant 0 : i32
        %dma_start3A_84 = tpu.memref_slice %arg4[%add3A_51, %dma_start3A_83] : memref<204800x512xf32, #tpu.memory_space<hbm>> -> memref<80x512xf32, #tpu.memory_space<hbm>>
        tpu.enqueue_dma source(%arg6 : memref<80x512xf32, #tpu.memory_space<vmem>>) target(%dma_start3A_84 : memref<80x512xf32, #tpu.memory_space<hbm>>) target_semaphore(%run_scoped3A : memref<!tpu.dma_semaphore, #tpu.memory_space<semaphore_mem>>)
        %dma_wait3A_85 = arith.constant 0 : i32
        %dma_wait3A_86 = tpu.memref_slice %arg4[%add3A_51, %dma_wait3A_85] : memref<204800x512xf32, #tpu.memory_space<hbm>> -> memref<80x512xf32, #tpu.memory_space<hbm>>
        %dma_wait3A_87 = arith.constant 0 : i32
        %dma_wait3A_88 = tpu.memref_slice %arg4[%add3A_51, %dma_wait3A_87] : memref<204800x512xf32, #tpu.memory_space<hbm>> -> memref<80x512xf32, #tpu.memory_space<hbm>>
        tpu.wait_dma2 semaphore(%run_scoped3A : memref<!tpu.dma_semaphore, #tpu.memory_space<semaphore_mem>>) src(%arg6 : memref<80x512xf32, #tpu.memory_space<vmem>>) dst(%dma_wait3A_88 : memref<80x512xf32, #tpu.memory_space<hbm>>)
        tpu.yield
      }) : () -> ()
      %add3A_52 = arith.constant 2 : i32
      %add3A_53 = arith.addi %add3A_42, %add3A_52 : i32
      %dma_start3A_54 = arith.constant 0 : i32
      %dma_start3A_55 = tpu.memref_slice %arg5[%add3A_53, %dma_start3A_54] : memref<80x80xi32, #tpu.memory_space<vmem>> -> memref<1x80xi32, #tpu.memory_space<vmem>>
      %dma_start3A_56 = tpu.memref_squeeze %dma_start3A_55 : memref<1x80xi32, #tpu.memory_space<vmem>> -> memref<80xi32, #tpu.memory_space<vmem>>
      %dma_start3A_57 = arith.constant 0 : i32
      %dma_start3A_58 = arith.constant 0 : i32
      %dma_start3A_59 = tpu.memref_slice %arg2[%dma_start3A_57, %dma_start3A_58] : memref<20000x512xf32, #tpu.memory_space<hbm>> -> memref<20000x512xf32, #tpu.memory_space<hbm>>
      tpu.enqueue_indirect_dma source(%dma_start3A_59 : memref<20000x512xf32, #tpu.memory_space<hbm>>) target(%arg6 : memref<80x512xf32, #tpu.memory_space<vmem>>) offsets(%dma_start3A_56 : memref<80xi32, #tpu.memory_space<vmem>>) semaphore(%arg8 : memref<!tpu.dma_semaphore, #tpu.memory_space<semaphore_mem>>)
      %mul3A_60 = arith.constant 2 : i32
      %mul3A_61 = arith.muli %mul3A_60, %scan3A_38 : i32
      %add3A_62 = arith.constant 1 : i32
      %add3A_63 = arith.addi %mul3A_61, %add3A_62 : i32
      %dma_wait3A_64 = arith.constant 0 : i32
      %dma_wait3A_65 = tpu.memref_slice %arg5[%add3A_63, %dma_wait3A_64] : memref<80x80xi32, #tpu.memory_space<vmem>> -> memref<1x80xi32, #tpu.memory_space<vmem>>
      %dma_wait3A_66 = tpu.memref_squeeze %dma_wait3A_65 : memref<1x80xi32, #tpu.memory_space<vmem>> -> memref<80xi32, #tpu.memory_space<vmem>>
      %dma_wait3A_67 = arith.constant 0 : i32
      %dma_wait3A_68 = arith.constant 0 : i32
      %dma_wait3A_69 = tpu.memref_slice %arg2[%dma_wait3A_67, %dma_wait3A_68] : memref<20000x512xf32, #tpu.memory_space<hbm>> -> memref<20000x512xf32, #tpu.memory_space<hbm>>
      tpu.wait_indirect_dma semaphore(%arg9 : memref<!tpu.dma_semaphore, #tpu.memory_space<semaphore_mem>>) src(%dma_wait3A_69 : memref<20000x512xf32, #tpu.memory_space<hbm>>) dst(%arg7 : memref<80x512xf32, #tpu.memory_space<vmem>>)
      %mul3A_70 = arith.constant 80 : i32
      %mul3A_71 = arith.muli %add3A_63, %mul3A_70 : i32
      %add3A_72 = arith.addi %mul3A_2, %mul3A_71 : i32
      "tpu.region"() ({
        %run_scoped3A = tpu.sem_alloc : memref<!tpu.dma_semaphore, #tpu.memory_space<semaphore_mem>>
        %dma_start3A_81 = arith.constant 0 : i32
        %dma_start3A_82 = tpu.memref_slice %arg4[%add3A_72, %dma_start3A_81] : memref<204800x512xf32, #tpu.memory_space<hbm>> -> memref<80x512xf32, #tpu.memory_space<hbm>>
        %dma_start3A_83 = arith.constant 0 : i32
        %dma_start3A_84 = tpu.memref_slice %arg4[%add3A_72, %dma_start3A_83] : memref<204800x512xf32, #tpu.memory_space<hbm>> -> memref<80x512xf32, #tpu.memory_space<hbm>>
        tpu.enqueue_dma source(%arg7 : memref<80x512xf32, #tpu.memory_space<vmem>>) target(%dma_start3A_84 : memref<80x512xf32, #tpu.memory_space<hbm>>) target_semaphore(%run_scoped3A : memref<!tpu.dma_semaphore, #tpu.memory_space<semaphore_mem>>)
        %dma_wait3A_85 = arith.constant 0 : i32
        %dma_wait3A_86 = tpu.memref_slice %arg4[%add3A_72, %dma_wait3A_85] : memref<204800x512xf32, #tpu.memory_space<hbm>> -> memref<80x512xf32, #tpu.memory_space<hbm>>
        %dma_wait3A_87 = arith.constant 0 : i32
        %dma_wait3A_88 = tpu.memref_slice %arg4[%add3A_72, %dma_wait3A_87] : memref<204800x512xf32, #tpu.memory_space<hbm>> -> memref<80x512xf32, #tpu.memory_space<hbm>>
        tpu.wait_dma2 semaphore(%run_scoped3A : memref<!tpu.dma_semaphore, #tpu.memory_space<semaphore_mem>>) src(%arg7 : memref<80x512xf32, #tpu.memory_space<vmem>>) dst(%dma_wait3A_88 : memref<80x512xf32, #tpu.memory_space<hbm>>)
        tpu.yield
      }) : () -> ()
      %add3A_73 = arith.constant 2 : i32
      %add3A_74 = arith.addi %add3A_63, %add3A_73 : i32
      %dma_start3A_75 = arith.constant 0 : i32
      %dma_start3A_76 = tpu.memref_slice %arg5[%add3A_74, %dma_start3A_75] : memref<80x80xi32, #tpu.memory_space<vmem>> -> memref<1x80xi32, #tpu.memory_space<vmem>>
      %dma_start3A_77 = tpu.memref_squeeze %dma_start3A_76 : memref<1x80xi32, #tpu.memory_space<vmem>> -> memref<80xi32, #tpu.memory_space<vmem>>
      %dma_start3A_78 = arith.constant 0 : i32
      %dma_start3A_79 = arith.constant 0 : i32
      %dma_start3A_80 = tpu.memref_slice %arg2[%dma_start3A_78, %dma_start3A_79] : memref<20000x512xf32, #tpu.memory_space<hbm>> -> memref<20000x512xf32, #tpu.memory_space<hbm>>
      tpu.enqueue_indirect_dma source(%dma_start3A_80 : memref<20000x512xf32, #tpu.memory_space<hbm>>) target(%arg7 : memref<80x512xf32, #tpu.memory_space<vmem>>) offsets(%dma_start3A_77 : memref<80xi32, #tpu.memory_space<vmem>>) semaphore(%arg9 : memref<!tpu.dma_semaphore, #tpu.memory_space<semaphore_mem>>)
    }
    %scan3A_20 = arith.constant 39 : i32
    %dma_wait3A = arith.constant 78 : i32
    %dma_wait3A_21 = arith.constant 0 : i32
    %dma_wait3A_22 = tpu.memref_slice %arg5[%dma_wait3A, %dma_wait3A_21] : memref<80x80xi32, #tpu.memory_space<vmem>> -> memref<1x80xi32, #tpu.memory_space<vmem>>
    %dma_wait3A_23 = tpu.memref_squeeze %dma_wait3A_22 : memref<1x80xi32, #tpu.memory_space<vmem>> -> memref<80xi32, #tpu.memory_space<vmem>>
    %dma_wait3A_24 = arith.constant 0 : i32
    %dma_wait3A_25 = arith.constant 0 : i32
    %dma_wait3A_26 = tpu.memref_slice %arg2[%dma_wait3A_24, %dma_wait3A_25] : memref<20000x512xf32, #tpu.memory_space<hbm>> -> memref<20000x512xf32, #tpu.memory_space<hbm>>
    tpu.wait_indirect_dma semaphore(%arg8 : memref<!tpu.dma_semaphore, #tpu.memory_space<semaphore_mem>>) src(%dma_wait3A_26 : memref<20000x512xf32, #tpu.memory_space<hbm>>) dst(%arg6 : memref<80x512xf32, #tpu.memory_space<vmem>>)
    %add3A_27 = arith.constant 6240 : i32
    %add3A_28 = arith.addi %mul3A_2, %add3A_27 : i32
    "tpu.region"() ({
      %run_scoped3A = tpu.sem_alloc : memref<!tpu.dma_semaphore, #tpu.memory_space<semaphore_mem>>
      %dma_start3A_38 = arith.constant 0 : i32
      %dma_start3A_39 = tpu.memref_slice %arg4[%add3A_28, %dma_start3A_38] : memref<204800x512xf32, #tpu.memory_space<hbm>> -> memref<80x512xf32, #tpu.memory_space<hbm>>
      %dma_start3A_40 = arith.constant 0 : i32
      %dma_start3A_41 = tpu.memref_slice %arg4[%add3A_28, %dma_start3A_40] : memref<204800x512xf32, #tpu.memory_space<hbm>> -> memref<80x512xf32, #tpu.memory_space<hbm>>
      tpu.enqueue_dma source(%arg6 : memref<80x512xf32, #tpu.memory_space<vmem>>) target(%dma_start3A_41 : memref<80x512xf32, #tpu.memory_space<hbm>>) target_semaphore(%run_scoped3A : memref<!tpu.dma_semaphore, #tpu.memory_space<semaphore_mem>>)
      %dma_wait3A_42 = arith.constant 0 : i32
      %dma_wait3A_43 = tpu.memref_slice %arg4[%add3A_28, %dma_wait3A_42] : memref<204800x512xf32, #tpu.memory_space<hbm>> -> memref<80x512xf32, #tpu.memory_space<hbm>>
      %dma_wait3A_44 = arith.constant 0 : i32
      %dma_wait3A_45 = tpu.memref_slice %arg4[%add3A_28, %dma_wait3A_44] : memref<204800x512xf32, #tpu.memory_space<hbm>> -> memref<80x512xf32, #tpu.memory_space<hbm>>
      tpu.wait_dma2 semaphore(%run_scoped3A : memref<!tpu.dma_semaphore, #tpu.memory_space<semaphore_mem>>) src(%arg6 : memref<80x512xf32, #tpu.memory_space<vmem>>) dst(%dma_wait3A_45 : memref<80x512xf32, #tpu.memory_space<hbm>>)
      tpu.yield
    }) : () -> ()
    %dma_wait3A_29 = arith.constant 79 : i32
    %dma_wait3A_30 = arith.constant 0 : i32
    %dma_wait3A_31 = tpu.memref_slice %arg5[%dma_wait3A_29, %dma_wait3A_30] : memref<80x80xi32, #tpu.memory_space<vmem>> -> memref<1x80xi32, #tpu.memory_space<vmem>>
    %dma_wait3A_32 = tpu.memref_squeeze %dma_wait3A_31 : memref<1x80xi32, #tpu.memory_space<vmem>> -> memref<80xi32, #tpu.memory_space<vmem>>
    %dma_wait3A_33 = arith.constant 0 : i32
    %dma_wait3A_34 = arith.constant 0 : i32
    %dma_wait3A_35 = tpu.memref_slice %arg2[%dma_wait3A_33, %dma_wait3A_34] : memref<20000x512xf32, #tpu.memory_space<hbm>> -> memref<20000x512xf32, #tpu.memory_space<hbm>>
    tpu.wait_indirect_dma semaphore(%arg9 : memref<!tpu.dma_semaphore, #tpu.memory_space<semaphore_mem>>) src(%dma_wait3A_35 : memref<20000x512xf32, #tpu.memory_space<hbm>>) dst(%arg7 : memref<80x512xf32, #tpu.memory_space<vmem>>)
    %add3A_36 = arith.constant 6320 : i32
    %add3A_37 = arith.addi %mul3A_2, %add3A_36 : i32
    "tpu.region"() ({
      %run_scoped3A = tpu.sem_alloc : memref<!tpu.dma_semaphore, #tpu.memory_space<semaphore_mem>>
      %dma_start3A_38 = arith.constant 0 : i32
      %dma_start3A_39 = tpu.memref_slice %arg4[%add3A_37, %dma_start3A_38] : memref<204800x512xf32, #tpu.memory_space<hbm>> -> memref<80x512xf32, #tpu.memory_space<hbm>>
      %dma_start3A_40 = arith.constant 0 : i32
      %dma_start3A_41 = tpu.memref_slice %arg4[%add3A_37, %dma_start3A_40] : memref<204800x512xf32, #tpu.memory_space<hbm>> -> memref<80x512xf32, #tpu.memory_space<hbm>>
      tpu.enqueue_dma source(%arg7 : memref<80x512xf32, #tpu.memory_space<vmem>>) target(%dma_start3A_41 : memref<80x512xf32, #tpu.memory_space<hbm>>) target_semaphore(%run_scoped3A : memref<!tpu.dma_semaphore, #tpu.memory_space<semaphore_mem>>)
      %dma_wait3A_42 = arith.constant 0 : i32
      %dma_wait3A_43 = tpu.memref_slice %arg4[%add3A_37, %dma_wait3A_42] : memref<204800x512xf32, #tpu.memory_space<hbm>> -> memref<80x512xf32, #tpu.memory_space<hbm>>
      %dma_wait3A_44 = arith.constant 0 : i32
      %dma_wait3A_45 = tpu.memref_slice %arg4[%add3A_37, %dma_wait3A_44] : memref<204800x512xf32, #tpu.memory_space<hbm>> -> memref<80x512xf32, #tpu.memory_space<hbm>>
      tpu.wait_dma2 semaphore(%run_scoped3A : memref<!tpu.dma_semaphore, #tpu.memory_space<semaphore_mem>>) src(%arg7 : memref<80x512xf32, #tpu.memory_space<vmem>>) dst(%dma_wait3A_45 : memref<80x512xf32, #tpu.memory_space<hbm>>)
      tpu.yield
    }) : () -> ()
    return
  }
}

</mosaic_0001>

<sc_bundles>
// kernel: _emb.3.cloned.1.call-start
scs
__scs_entry_jumppad:
0x0: {  	(pc) =	sbr.rel $0x88, $3  }
0x1: {  	(tag) =	ssettag $0x0;
	lr =	simm.s32 $0x1  }
0x2: {  	[smem:$0x3F9F] =	sst lr;
	_ =	strace $0xD0000000  }
0x3: {  	_ = 	snop  }
0x4: {  	_ = 	snop  }
0x5: {  	_ = 	snop  }
0x6: {  	_ = 	snop  }
0x7: {  	_ = 	snop  }
__scs_overlays_trampoline_lowered:
0x8: {  	[smem:$0x3FAE] =	sst s0  }
0x9: {  	[smem:$0x3FAF] =	sst s1  }
0xa: {  	[smem:$0x3FB0] =	sst s2  }
0xb: {  	[smem:$0x3FB1] =	sst s3  }
0xc: {  	[smem:$0x3FB2] =	sst s4  }
0xd: {  	[smem:$0x3FB3] =	sst s5  }
0xe: {  	[smem:$0x3FB4] =	sst s6  }
0xf: {  	[smem:$0x3FB5] =	sst s7  }
0x10: {  	[smem:$0x3FB6] =	sst s8  }
0x11: {  	[smem:$0x3FB7] =	sst s9;
	s0 =	simm.s32 @!p0 $0x0  }
0x12: {  	s1 =	sld [smem:$0x3F9D];
	s0 =	simm.s32 @p0 $0x1  }
0x13: {  	[smem:$0x3FB8] =	sst s0;
	s0 =	simm.s32 @!p1 $0x0  }
0x14: {  	s2 =	sld [smem:$0x3F9C];
	s0 =	simm.s32 @p1 $0x1  }
0x15: {  	[smem:$0x3FB9] =	sst s0;
	s0 =	simm.s32 @!p2 $0x0  }
0x16: {  	s3 =	sld [smem:$0x3FDB];
	s0 =	simm.s32 @p2 $0x1  }
0x17: {  	s4 =	simm.s32 $0x1BF5;
	[smem:$0x3FBB] =	sst s0  }
0x18: {  	s0 =	sld [smem:$0x3F9E];
	_ =	swait.ge [sflag:s4], $0x0  }
0x19: {  	s7 =	sld [smem:$0x3F9F]  }
0x1a: {  	s8 =	sadd.s32 $0xFFFFE003, lr  }
0x1b: {  	s9 =	sadd.s32 $0xFFFFFEF7, lr;
	s5 =	simm.s32 $0xFFFFFFFF;
	p2 =	slt.u32 s8, $0xFFFFF086  }
0x1c: {  	p1 =	slt.u32 s9, $0xF7A;
	s5 =	simm.s32 @!p2 $0x0  }
0x1d: {  	s5 =	simm.s32 @p1 $0x1;
	p0 =	seq.s32 s7, s2  }
0x1e: {  	s7 =	smul.u32 @!p0 $0xF7A, s2;
	p2 =	seq.s32 @!p0 s5, $0x0  }
0x1f: {  	s9 =	smul.u32 $0xF7A, s1;
	s8 =	simm.s32 @!p0 $0x1BF5;
	p2 =	por !p2, p0  }
0x20: {  	[sflag:s8] =	ssyncset.s32 @!p0 $0xFFFFF086;
	s6 =	sadd.s32 @!p0 s3, s7;
	s7 =	simm.s32 @!p0 $0x108  }
0x21: {  	s3 =	sadd.s32 s3, s9;
	s6 =	sadd.s32 @!p0 $0x88, s6;
	s7 =	simm.s32 @p2 $0x1082  }
0x22: {  	[simem:s7], [sflag:s8] =	dma.local @!p0 [hbm:s6], $0xF7A  }
0x23: {  	s9 =	sor.u32 $0xD0000000, s2;
	s6 =	simm.s32 $0x108;
	_ =	swait.ge @!p0 [sflag:s8], $0x0  }
0x24: {  	s3 =	sadd.s32 $0x88, s3;
	s6 =	simm.s32 @!p1 $0x1082;
	[sflag:s4] =	ssyncset.s32 $0xFFFFF086  }
0x25: {  	[simem:s6], [sflag:s4] =	dma.local [hbm:s3], $0xF7A  }
0x26: {  	[smem:$0x3F9F] =	sst s1;
	(tag) =	ssettag s2;
	_ =	strace s9  }
0x27: {  	s1 =	sld [smem:$0x3FAF]  }
0x28: {  	s2 =	sld [smem:$0x3FB0]  }
0x29: {  	s4 =	sld [smem:$0x3FB2]  }
0x2a: {  	p0 =	seq.s32 s5, $0x0;
	s5 =	sld [smem:$0x3FB3]  }
0x2b: {  	s6 =	sld [smem:$0x3FB4]  }
0x2c: {  	s7 =	sld [smem:$0x3FB5]  }
0x2d: {  	s3 =	simm.s32 $0x108;
	s8 =	sld [smem:$0x3FB6]  }
0x2e: {  	s3 =	simm.s32 @!p0 $0x1082;
	s9 =	sld [smem:$0x3FB7]  }
0x2f: {  	lr =	sadd.s32 s0, s3;
	s0 =	sld [smem:$0x3FAE]  }
0x30: {  	s3 =	sld [smem:$0x3FB1]  }
0x31: {  	[smem:$0x3FBA] =	sst s10  }
0x32: {  	s10 =	sld [smem:$0x3FB8];
	_ =	sdelay $0x3  }
0x33: {  	p0 =	seq.s32 s10, $0x1;
	s10 =	sld [smem:$0x3FBA];
	_ =	sdelay $0x3  }
0x34: {  	[smem:$0x3FBA] =	sst s10  }
0x35: {  	s10 =	sld [smem:$0x3FB9];
	_ =	sdelay $0x3  }
0x36: {  	p1 =	seq.s32 s10, $0x1;
	s10 =	sld [smem:$0x3FBA];
	_ =	sdelay $0x3  }
0x37: {  	[smem:$0x3FBA] =	sst s10  }
0x38: {  	s10 =	sld [smem:$0x3FBB]  }
0x39: {  	_ = 	snop;
	(pc) =	sbr.ind lr, $3  }
0x3a: {  	_ = 	snop  }
0x3b: {  	_ = 	snop  }
0x3c: {  	p2 =	seq.s32 s10, $0x1;
	s10 =	sld [smem:$0x3FBA]  }
0x3d: {  	_ =	shalt  }
0x3e: {  	_ =	shalt  }
0x3f: {  	_ =	shalt  }
0x40: {  	_ =	shalt  }
0x41: {  	_ =	shalt  }
0x42: {  	_ =	shalt  }
0x43: {  	_ =	shalt  }
0x44: {  	_ =	shalt  }
0x45: {  	_ =	shalt  }
0x46: {  	_ =	shalt  }
0x47: {  	_ =	shalt  }
0x48: {  	_ =	shalt  }
0x49: {  	_ =	shalt  }
0x4a: {  	_ =	shalt  }
0x4b: {  	_ =	shalt  }
0x4c: {  	_ =	shalt  }
0x4d: {  	_ =	shalt  }
0x4e: {  	_ =	shalt  }
0x4f: {  	_ =	shalt  }
0x50: {  	_ =	shalt  }
0x51: {  	_ =	shalt  }
0x52: {  	_ =	shalt  }
0x53: {  	_ =	shalt  }
0x54: {  	_ =	shalt  }
0x55: {  	_ =	shalt  }
0x56: {  	_ =	shalt  }
0x57: {  	_ =	shalt  }
0x58: {  	_ =	shalt  }
0x59: {  	_ =	shalt  }
0x5a: {  	_ =	shalt  }
0x5b: {  	_ =	shalt  }
0x5c: {  	_ =	shalt  }
0x5d: {  	_ =	shalt  }
0x5e: {  	_ =	shalt  }
0x5f: {  	_ =	shalt  }
0x60: {  	_ =	shalt  }
0x61: {  	_ =	shalt  }
0x62: {  	_ =	shalt  }
0x63: {  	_ =	shalt  }
0x64: {  	_ =	shalt  }
0x65: {  	_ =	shalt  }
0x66: {  	_ =	shalt  }
0x67: {  	_ =	shalt  }
0x68: {  	_ =	shalt  }
0x69: {  	_ =	shalt  }
0x6a: {  	_ =	shalt  }
0x6b: {  	_ =	shalt  }
0x6c: {  	_ =	shalt  }
0x6d: {  	_ =	shalt  }
0x6e: {  	_ =	shalt  }
0x6f: {  	_ =	shalt  }
0x70: {  	_ =	shalt  }
0x71: {  	_ =	shalt  }
0x72: {  	_ =	shalt  }
0x73: {  	_ =	shalt  }
0x74: {  	_ =	shalt  }
0x75: {  	_ =	shalt  }
0x76: {  	_ =	shalt  }
0x77: {  	_ =	shalt  }
0x78: {  	_ =	shalt  }
0x79: {  	_ =	shalt  }
0x7a: {  	_ =	shalt  }
0x7b: {  	_ =	shalt  }
0x7c: {  	_ =	shalt  }
0x7d: {  	_ =	shalt  }
0x7e: {  	_ =	shalt  }
0x7f: {  	_ =	shalt  }
0x80: {  	_ =	shalt  }
0x81: {  	_ =	shalt  }
0x82: {  	_ =	shalt  }
0x83: {  	_ =	shalt  }
0x84: {  	_ =	shalt  }
0x85: {  	_ =	shalt  }
0x86: {  	_ =	shalt  }
0x87: {  	_ =	shalt  }
.Lfunc_end0:
.L_simem_size_0:
called_computation_lowered:
.L_overlay_start_0:
0x88: {  	s2 =	sld [smem:$0x3FD9]  }
0x89: {  	s3 =	sld [smem:$0x3FFE];
	_ =	sdelay $0x1  }
0x8a: {  	s1 =	srdreg.scid  }
0x8b: {  	s0 =	sand.u32 $0x1, s1  }
0x8c: {  	s18 =	sshll.u32 s0, $0xA;
	s2 =	sadd.s32 s3, s2  }
0x8d: {  	s2 =	sadd.s32 s2, s18  }
0x8e: {  	[smem:$0x3FC6] =	sst s2  }
0x8f: {  	_ = 	snop  }
0x90: {  	s2 =	sld [smem:$0x3FC9]  }
0x91: {  	s19 =	sld [smem:$0x3FC8]  }
0x92: {  	s4 =	sld [smem:$0x3FD0];
	(tm) =	ssettm $0x1  }
0x93: {  	s5 =	sld [smem:$0x3FFB];
	_ =	sdelay $0x3  }
0x94: {  	_ =	strace s5  }
0x95: {  	s5 =	sld [smem:$0x3FFC];
	_ =	sdelay $0x3  }
0x96: {  	_ =	strace s5  }
0x97: {  	s5 =	sld [smem:$0x3FFD];
	_ =	sdelay $0x3  }
0x98: {  	_ =	strace s5  }
0x99: {  	_ =	strace $0x8FFFFFFF  }
0x9a: {  	s20 =	sld [smem:$0x3FDB];
	_ =	sdelay $0x1  }
0x9b: {  	s6 =	simm.s32 $_scs_section_size  }
0x9c: {  	s7 =	simm.s32 $_size__tile_overlayer_lowered;
	s8 =	simm.s32 $_tile_overlayer_lowered  }
0x9d: {  	s23 =	simm.s32 $0x1BFF;
	s22 =	sshll.u32 s8, $0x1;
	s5 =	sadd.s32 s6, s20  }
0x9e: {  	s9 =	simm.s32 $0x0;
	s21 =	sshll.u32 s7, $0x1;
	s7 =	sadd.s32 s22, s5  }
0x9f: {  	[timem:s9], [sflag:s23] =	dma.local [hbm:s7], s21  }
0xa0: {  	_ =	swait.ge [sflag:s23], s21  }
0xa1: {  	s6 =	ssub.s32 $0x0, s21;
	[sflag:s23] =	ssyncset.done $0x0  }
0xa2: {  	[sflag:s23] =	ssyncadd.s32 s6;
	_ =	sdelay $0x1  }
0xa3: {  	s24 =	simm.s32 $0x1B8B  }
0xa4: {  	_ =	swait.ge [sflag:s24], $0x1  }
0xa5: {  	[sflag:s24] =	ssyncset.done $0x0  }
0xa6: {  	s25 =	simm.s32 $0x1B8E;
	[sflag:s24] =	ssyncadd.s32 $0xFFFFFFFF  }
0xa7: {  	s26 =	simm.s32 $execute0_lowered;
	[smem:$0x3FD2] =	sst s25  }
0xa8: {  	s6 =	sshll.u32 s26, $0x1;
	_ =	strace $0x80000046;
	[dreg:$0x1] =	wrdreg $0xFFFFFFFF  }
0xa9: {  	s28 =	simm.s32 $_size_execute0_lowered;
	s5 =	sadd.s32 s5, s6;
	[dreg:$0x0] =	wrdreg $0x0  }
0xaa: {  	s6 =	sshll.u32 s28, $0x1;
	[dreg:$0x2] =	wrdreg s5  }
0xab: {  	[dreg:$0x3] =	wrdreg s6  }
0xac: {  	[dreg:$0x4] =	wrdreg $0xC0  }
0xad: {  	_ =	task [dreg:s9], $0x5FFFF  }
0xae: {  	[dreg:$0x1] =	wrdreg $0xFFFFFFFF  }
0xaf: {  	[dreg:$0x0] =	wrdreg $0x60  }
0xb0: {  	[dreg:$0x2] =	wrdreg s2  }
0xb1: {  	[dreg:$0x3] =	wrdreg s19  }
0xb2: {  	[dreg:$0x4] =	wrdreg s4  }
0xb3: {  	[dreg:$0x5] =	wrdreg $0x9  }
0xb4: {  	_ =	task.clear_ibuf [dreg:s9], $0x6FFFF;
	_ =	strace $0x90000046  }
0xb5: {  	s29 =	simm.s32 $0x9;
	_ =	strace $0x80000048  }
0xb6: {  	_ =	swait.ge [sflag:s29], $0x1  }
0xb7: {  	[sflag:s29] =	ssyncadd.s32 $0xFFFFFFFF  }
0xb8: {  	_ =	strace $0x90000048  }
0xb9: {  	_ =	sfence  }
0xba: {  	s30 =	sld [smem:$0x0];
	_ =	sdelay $0x2  }
0xbb: {  	s31 =	sshll.u32 s1, $0xD;
	s1 =	sshrl.u32 s1, $0x2  }
0xbc: {  	s3 =	sand.u32 $0x4000, s31;
	s1 =	sadd.s32 s1, s30  }
0xbd: {  	s0 =	sor.u32 s3, s0;
	s1 =	sshll.u32 s1, $0x11  }
0xbe: {  	s0 =	sor.u32 s1, s0  }
0xbf: {  	s0 =	sadd.s32 $0x8F2B, s0  }
0xc0: {  	[sflag:s0] =	ssyncadd.remote.s32 $0x1  }
0xc1: {  	_ =	sfence.sel $0xFFFF  }
0xc2: {  	[dreg:$0x0] =	wrdreg $0xFFFFFFFF;
	(pc) =	sbr.abs _section_cstart, $3  }
0xc3: {  	[dreg:$0x1] =	wrdreg $0xFFFFFFFF  }
0xc4: {  	_ =	task.clear_ibuf [dreg:s9], $0x2FFFF;
	_ =	strace $0x9FFFFFFF  }
0xc5: {  	(tm) =	ssettm $0x7FFFFFFF  }
tec
execute0_lowered:
.L_overlay_start_1:
0x0: {  	(tag) =	ssettag $0x1  }
0x1: {  	s1 =	rddreg [dreg:$0x0]  }
0x2: {  	s0 =	rddreg [dreg:$0x1]  }
0x3: {  	s2 =	srdreg.scid;
	s9 =	stileid.u32  }
0x4: {  	s4 =	rddreg [dreg:$0x2];
	s3 =	simm.s32 $0x0;
	s31 =	simm.s32 $0x2800  }
0x5: {  	s28 =	simm.s32 $0x3000;
	s11 =	simm.s32 $0x6800;
	s12 =	simm.s32 $0x7000  }
0x6: {  	s13 =	simm.s32 $0x7800;
	s14 =	simm.s32 $0x8000;
	s15 =	simm.s32 $0x8800  }
0x7: {  	s16 =	simm.s32 $0x9000;
	s17 =	simm.s32 $0x9800;
	s18 =	simm.s32 $0xA000  }
0x8: {  	s19 =	simm.s32 $0xA800;
	s20 =	simm.s32 $0xB000;
	s21 =	simm.s32 $0xB800  }
0x9: {  	s22 =	simm.s32 $0xC000;
	s29 =	simm.s32 $0xD000;
	s30 =	simm.s32 $0xD800  }
0xa: {  	s10 =	simm.s32 $0xE000;
	s2 =	sand.u32 $0x1, s2;
	s5 =	sshll.u32 s9, $0x1  }
0xb: {  	[smem:$0x7FF] =	sst s3;
	s23 =	smul.u32 $0xC8000, s9;
	s5 =	sor.u32 s2, s5  }
0xc: {  	s9 =	simm.s32 $0x3;
	s6 =	ssub.s32 $0x2, s2;
	s7 =	smul.u32 $0x320000, s5  }
0xd: {  	_ =	strace $0x80000047;
	s8 =	sshrl.u32 s6, $0x1;
	s5 =	smul.u32 $0x500, s5  }
0xe: {  	s2 =	smul.u32 $0x64000, s2;
	s6 =	ssub.s32 s6, s8;
	s8 =	simm.s32 $0x6000  }
0xf: {  	s7 =	sshrl.u32 s7, $0x3;
	s0 =	sadd.s32 s0, s5;
	s5 =	sadd.s32 $0x100, s1  }
0x10: {  	s25 =	smax.u32 s6, $0x1;
	s6 =	simm.s32 $0x5000;
	[dreg:$0x5] =	wrdreg s0  }
0x11: {  	s24 =	sadd.s32 s4, s7;
	s4 =	sadd.s32 s23, s4;
	[dreg:$0x8] =	wrdreg s25  }
0x12: {  	s23 =	simm.s32 $0xC800;
	s25 =	simm.s32 $0x2;
	s7 =	sadd.s32 $0x61800, s24  }
0x13: {  	s0 =	sadd.s32 $0x62C00, s24;
	s26 =	sadd.s32 s2, s4;
	[dreg:$0x6] =	wrdreg s7  }
0x14: {  	v2 =	vlaneseq.u32;
	s2 =	simm.s32 $0x3800;
	s4 =	simm.s32 $0x4800;
	[dreg:$0x7] =	wrdreg s0  }
0x15: {  	vm0 =	vmmov $0xffff;
	v1 =	vshrl.u32 v2, $0x3;
	s24 =	simm.s32 $0x1;
	[dreg:$0x4] =	wrdreg s26;
	s26 =	simm.s32 $0x0  }
0x16: {  	v0 =	vand.u32 $0x7, v2;
	v2 =	vor.u32 $0x8, v2;
	v1 =	vmul.u32 $0x8, v1;
	s0 =	simm.s32 $0x4000;
	s7 =	simm.s32 $0x5800;
	[dreg:$0x9] =	wrdreg s26  }
.LBB2_1:
0x17: {  	s26 =	rddreg [dreg:$0x5]  }
0x18: {  	[tilespmem:s3], [sflag:$0x3] =	stream.linear.gather [hbm4b:s26+s3], $0x2800, $0x38;
	[tilespmem:$0x16800] =	vst v63  }
0x19: {  	_ =	swait.ge [sflag:s9], $0x2800  }
0x1a: {  	[sflag:s9] =	ssyncset.done $0x0  }
0x1b: {  	[sflag:s9] =	ssyncadd.s32 $0xFFFFD800  }
0x1c: {  	v3 =	vld [tilespmem:$0x0];
	_ =	sdelay $0x4  }
0x1d: {  	v4 =	vshll.u32 v3, $0x2  }
0x1e: {  	v3 =	vand.u32 $0x7, v3;
	v4 =	vand.u32 $0xFFFFFFE0, v4  }
0x1f: {  	v3 =	vor.u32 v3, v4  }
0x20: {  	v4 =	vperm.xlane v3, v0;
	_ =	sdelay $0x1  }
0x21: {  	v4 =	vadd.s32 v1, v4;
	_ =	sdelay $0x1  }
0x22: {  	v3 =	vperm.xlane v3, v2;
	_ =	sdelay $0x1  }
0x23: {  	v3 =	vadd.s32 v1, v3  }
0x24: {  	[tilespmem:s31], [sflag:$0x1] =	stream.indirect_vreg.gather [hbm4b:s1+s3], $0x80, v4, vm0, $0xb8;
	[tilespmem:$0x16800] =	vst v63  }
0x25: {  	_ = 	snop  }
0x26: {  	[tilespmem:s28], [sflag:$0x1] =	stream.indirect_vreg.gather [hbm4b:s5+s3], $0x80, v4, vm0, $0xb8;
	[tilespmem:$0x16800] =	vst v63  }
0x27: {  	_ = 	snop  }
0x28: {  	[tilespmem:s2], [sflag:$0x1] =	stream.indirect_vreg.gather [hbm4b:s1+s3], $0x80, v3, vm0, $0xb8;
	[tilespmem:$0x16800] =	vst v63  }
0x29: {  	_ = 	snop  }
0x2a: {  	[tilespmem:s0], [sflag:$0x1] =	stream.indirect_vreg.gather [hbm4b:s5+s3], $0x80, v3, vm0, $0xb8;
	[tilespmem:$0x16800] =	vst v63  }
0x2b: {  	v3 =	vld [tilespmem:$0x10];
	_ =	sdelay $0x4  }
0x2c: {  	v55 =	vshll.u32 v3, $0x2  }
0x2d: {  	v3 =	vand.u32 $0x7, v3;
	v4 =	vand.u32 $0xFFFFFFE0, v55  }
0x2e: {  	v3 =	vor.u32 v3, v4  }
0x2f: {  	v4 =	vperm.xlane v3, v0;
	_ =	sdelay $0x1  }
0x30: {  	v4 =	vadd.s32 v1, v4;
	_ =	sdelay $0x1  }
0x31: {  	v3 =	vperm.xlane v3, v2;
	_ =	sdelay $0x1  }
0x32: {  	v3 =	vadd.s32 v1, v3  }
0x33: {  	[tilespmem:s4], [sflag:$0x1] =	stream.indirect_vreg.gather [hbm4b:s1+s3], $0x80, v4, vm0, $0xb8;
	[tilespmem:$0x16800] =	vst v63  }
0x34: {  	_ = 	snop  }
0x35: {  	[tilespmem:s6], [sflag:$0x1] =	stream.indirect_vreg.gather [hbm4b:s5+s3], $0x80, v4, vm0, $0xb8;
	[tilespmem:$0x16800] =	vst v63  }
0x36: {  	_ = 	snop  }
0x37: {  	[tilespmem:s7], [sflag:$0x1] =	stream.indirect_vreg.gather [hbm4b:s1+s3], $0x80, v3, vm0, $0xb8;
	[tilespmem:$0x16800] =	vst v63  }
0x38: {  	_ = 	snop  }
0x39: {  	[tilespmem:s8], [sflag:$0x1] =	stream.indirect_vreg.gather [hbm4b:s5+s3], $0x80, v3, vm0, $0xb8;
	[tilespmem:$0x16800] =	vst v63  }
0x3a: {  	v3 =	vld [tilespmem:$0x20];
	_ =	sdelay $0x4  }
0x3b: {  	v56 =	vshll.u32 v3, $0x2  }
0x3c: {  	v3 =	vand.u32 $0x7, v3;
	v4 =	vand.u32 $0xFFFFFFE0, v56  }
0x3d: {  	v3 =	vor.u32 v3, v4  }
0x3e: {  	v4 =	vperm.xlane v3, v0;
	_ =	sdelay $0x1  }
0x3f: {  	v4 =	vadd.s32 v1, v4;
	_ =	sdelay $0x1  }
0x40: {  	v3 =	vperm.xlane v3, v2;
	_ =	sdelay $0x1  }
0x41: {  	v3 =	vadd.s32 v1, v3  }
0x42: {  	[tilespmem:s11], [sflag:$0x1] =	stream.indirect_vreg.gather [hbm4b:s1+s3], $0x80, v4, vm0, $0xb8;
	[tilespmem:$0x16800] =	vst v63  }
0x43: {  	_ = 	snop  }
0x44: {  	[tilespmem:s12], [sflag:$0x1] =	stream.indirect_vreg.gather [hbm4b:s5+s3], $0x80, v4, vm0, $0xb8;
	[tilespmem:$0x16800] =	vst v63  }
0x45: {  	_ = 	snop  }
0x46: {  	[tilespmem:s13], [sflag:$0x1] =	stream.indirect_vreg.gather [hbm4b:s1+s3], $0x80, v3, vm0, $0xb8;
	[tilespmem:$0x16800] =	vst v63  }
0x47: {  	_ = 	snop  }
0x48: {  	[tilespmem:s14], [sflag:$0x1] =	stream.indirect_vreg.gather [hbm4b:s5+s3], $0x80, v3, vm0, $0xb8;
	[tilespmem:$0x16800] =	vst v63  }
0x49: {  	v3 =	vld [tilespmem:$0x30];
	_ =	sdelay $0x4  }
0x4a: {  	v57 =	vshll.u32 v3, $0x2  }
0x4b: {  	v3 =	vand.u32 $0x7, v3;
	v4 =	vand.u32 $0xFFFFFFE0, v57  }
0x4c: {  	v3 =	vor.u32 v3, v4  }
0x4d: {  	v4 =	vperm.xlane v3, v0;
	_ =	sdelay $0x1  }
0x4e: {  	v4 =	vadd.s32 v1, v4;
	_ =	sdelay $0x1  }
0x4f: {  	v3 =	vperm.xlane v3, v2;
	_ =	sdelay $0x1  }
0x50: {  	v3 =	vadd.s32 v1, v3  }
0x51: {  	[tilespmem:s15], [sflag:$0x1] =	stream.indirect_vreg.gather [hbm4b:s1+s3], $0x80, v4, vm0, $0xb8;
	[tilespmem:$0x16800] =	vst v63  }
0x52: {  	_ = 	snop  }
0x53: {  	[tilespmem:s16], [sflag:$0x1] =	stream.indirect_vreg.gather [hbm4b:s5+s3], $0x80, v4, vm0, $0xb8;
	[tilespmem:$0x16800] =	vst v63  }
0x54: {  	_ = 	snop  }
0x55: {  	[tilespmem:s17], [sflag:$0x1] =	stream.indirect_vreg.gather [hbm4b:s1+s3], $0x80, v3, vm0, $0xb8;
	[tilespmem:$0x16800] =	vst v63  }
0x56: {  	_ = 	snop  }
0x57: {  	[tilespmem:s18], [sflag:$0x1] =	stream.indirect_vreg.gather [hbm4b:s5+s3], $0x80, v3, vm0, $0xb8;
	[tilespmem:$0x16800] =	vst v63  }
0x58: {  	v3 =	vld [tilespmem:$0x40];
	_ =	sdelay $0x4  }
0x59: {  	v58 =	vshll.u32 v3, $0x2  }
0x5a: {  	v3 =	vand.u32 $0x7, v3;
	v4 =	vand.u32 $0xFFFFFFE0, v58  }
0x5b: {  	v3 =	vor.u32 v3, v4  }
0x5c: {  	v4 =	vperm.xlane v3, v0;
	_ =	sdelay $0x1  }
0x5d: {  	v4 =	vadd.s32 v1, v4;
	_ =	sdelay $0x1  }
0x5e: {  	v3 =	vperm.xlane v3, v2;
	_ =	sdelay $0x1  }
0x5f: {  	v3 =	vadd.s32 v1, v3  }
0x60: {  	[tilespmem:s19], [sflag:$0x1] =	stream.indirect_vreg.gather [hbm4b:s1+s3], $0x80, v4, vm0, $0xb8;
	[tilespmem:$0x16800] =	vst v63  }
0x61: {  	_ = 	snop  }
0x62: {  	[tilespmem:s20], [sflag:$0x1] =	stream.indirect_vreg.gather [hbm4b:s5+s3], $0x80, v4, vm0, $0xb8;
	[tilespmem:$0x16800] =	vst v63  }
0x63: {  	_ = 	snop  }
0x64: {  	[tilespmem:s21], [sflag:$0x1] =	stream.indirect_vreg.gather [hbm4b:s1+s3], $0x80, v3, vm0, $0xb8;
	[tilespmem:$0x16800] =	vst v63  }
0x65: {  	_ = 	snop  }
0x66: {  	[tilespmem:s22], [sflag:$0x1] =	stream.indirect_vreg.gather [hbm4b:s5+s3], $0x80, v3, vm0, $0xb8;
	[tilespmem:$0x16800] =	vst v63  }
0x67: {  	v3 =	vld [tilespmem:$0x80];
	_ =	sdelay $0x4  }
0x68: {  	v59 =	vshll.u32 v3, $0x2  }
0x69: {  	v3 =	vand.u32 $0x7, v3;
	v4 =	vand.u32 $0xFFFFFFE0, v59  }
0x6a: {  	v3 =	vor.u32 v3, v4  }
0x6b: {  	v4 =	vperm.xlane v3, v0;
	_ =	sdelay $0x1  }
0x6c: {  	v4 =	vadd.s32 v1, v4;
	_ =	sdelay $0x1  }
0x6d: {  	v3 =	vperm.xlane v3, v2;
	_ =	sdelay $0x1  }
0x6e: {  	v3 =	vadd.s32 v1, v3  }
0x6f: {  	[tilespmem:s23], [sflag:$0x2] =	stream.indirect_vreg.gather [hbm4b:s1+s3], $0x80, v4, vm0, $0xb8;
	[tilespmem:$0x16800] =	vst v63  }
0x70: {  	_ = 	snop  }
0x71: {  	[tilespmem:s29], [sflag:$0x2] =	stream.indirect_vreg.gather [hbm4b:s5+s3], $0x80, v4, vm0, $0xb8;
	[tilespmem:$0x16800] =	vst v63  }
0x72: {  	_ = 	snop  }
0x73: {  	[tilespmem:s30], [sflag:$0x2] =	stream.indirect_vreg.gather [hbm4b:s1+s3], $0x80, v3, vm0, $0xb8;
	[tilespmem:$0x16800] =	vst v63  }
0x74: {  	_ = 	snop  }
0x75: {  	[tilespmem:s10], [sflag:$0x2] =	stream.indirect_vreg.gather [hbm4b:s5+s3], $0x80, v3, vm0, $0xb8;
	[tilespmem:$0x16800] =	vst v63  }
0x76: {  	v3 =	vld [tilespmem:$0x90];
	_ =	sdelay $0x4  }
0x77: {  	v60 =	vshll.u32 v3, $0x2  }
0x78: {  	v3 =	vand.u32 $0x7, v3;
	v4 =	vand.u32 $0xFFFFFFE0, v60  }
0x79: {  	v3 =	vor.u32 v3, v4  }
0x7a: {  	v4 =	vperm.xlane v3, v0;
	_ =	sdelay $0x1  }
0x7b: {  	v4 =	vadd.s32 v1, v4;
	_ =	sdelay $0x1  }
0x7c: {  	v3 =	vperm.xlane v3, v2;
	_ =	sdelay $0x1  }
0x7d: {  	s15 =	simm.s32 $0xE800;
	v3 =	vadd.s32 v1, v3  }
0x7e: {  	[tilespmem:s15], [sflag:$0x2] =	stream.indirect_vreg.gather [hbm4b:s1+s3], $0x80, v4, vm0, $0xb8;
	[tilespmem:$0x16800] =	vst v63  }
0x7f: {  	s16 =	simm.s32 $0xF000  }
0x80: {  	[tilespmem:s16], [sflag:$0x2] =	stream.indirect_vreg.gather [hbm4b:s5+s3], $0x80, v4, vm0, $0xb8;
	[tilespmem:$0x16800] =	vst v63  }
0x81: {  	s17 =	simm.s32 $0xF800  }
0x82: {  	[tilespmem:s17], [sflag:$0x2] =	stream.indirect_vreg.gather [hbm4b:s1+s3], $0x80, v3, vm0, $0xb8;
	[tilespmem:$0x16800] =	vst v63  }
0x83: {  	s18 =	simm.s32 $0x10000  }
0x84: {  	[tilespmem:s18], [sflag:$0x2] =	stream.indirect_vreg.gather [hbm4b:s5+s3], $0x80, v3, vm0, $0xb8;
	[tilespmem:$0x16800] =	vst v63  }
0x85: {  	v3 =	vld [tilespmem:$0xA0];
	_ =	sdelay $0x4  }
0x86: {  	v61 =	vshll.u32 v3, $0x2  }
0x87: {  	v3 =	vand.u32 $0x7, v3;
	v4 =	vand.u32 $0xFFFFFFE0, v61  }
0x88: {  	v3 =	vor.u32 v3, v4  }
0x89: {  	v4 =	vperm.xlane v3, v0;
	_ =	sdelay $0x1  }
0x8a: {  	v4 =	vadd.s32 v1, v4;
	_ =	sdelay $0x1  }
0x8b: {  	v3 =	vperm.xlane v3, v2;
	_ =	sdelay $0x1  }
0x8c: {  	s19 =	simm.s32 $0x10800;
	v3 =	vadd.s32 v1, v3  }
0x8d: {  	[tilespmem:s19], [sflag:$0x2] =	stream.indirect_vreg.gather [hbm4b:s1+s3], $0x80, v4, vm0, $0xb8;
	[tilespmem:$0x16800] =	vst v63  }
0x8e: {  	s20 =	simm.s32 $0x11000  }
0x8f: {  	[tilespmem:s20], [sflag:$0x2] =	stream.indirect_vreg.gather [hbm4b:s5+s3], $0x80, v4, vm0, $0xb8;
	[tilespmem:$0x16800] =	vst v63  }
0x90: {  	s21 =	simm.s32 $0x11800  }
0x91: {  	[tilespmem:s21], [sflag:$0x2] =	stream.indirect_vreg.gather [hbm4b:s1+s3], $0x80, v3, vm0, $0xb8;
	[tilespmem:$0x16800] =	vst v63  }
0x92: {  	s22 =	simm.s32 $0x12000  }
0x93: {  	[tilespmem:s22], [sflag:$0x2] =	stream.indirect_vreg.gather [hbm4b:s5+s3], $0x80, v3, vm0, $0xb8;
	[tilespmem:$0x16800] =	vst v63  }
0x94: {  	v3 =	vld [tilespmem:$0xB0];
	_ =	sdelay $0x4  }
0x95: {  	v62 =	vshll.u32 v3, $0x2  }
0x96: {  	v3 =	vand.u32 $0x7, v3;
	v4 =	vand.u32 $0xFFFFFFE0, v62  }
0x97: {  	v3 =	vor.u32 v3, v4  }
0x98: {  	v4 =	vperm.xlane v3, v0;
	_ =	sdelay $0x1  }
0x99: {  	v4 =	vadd.s32 v1, v4;
	_ =	sdelay $0x1  }
0x9a: {  	v3 =	vperm.xlane v3, v2;
	_ =	sdelay $0x1  }
0x9b: {  	s23 =	simm.s32 $0x12800;
	v3 =	vadd.s32 v1, v3  }
0x9c: {  	[tilespmem:s23], [sflag:$0x2] =	stream.indirect_vreg.gather [hbm4b:s1+s3], $0x80, v4, vm0, $0xb8;
	[tilespmem:$0x16800] =	vst v63  }
0x9d: {  	s26 =	simm.s32 $0x13000  }
0x9e: {  	[tilespmem:s26], [sflag:$0x2] =	stream.indirect_vreg.gather [hbm4b:s5+s3], $0x80, v4, vm0, $0xb8;
	[tilespmem:$0x16800] =	vst v63  }
0x9f: {  	s29 =	simm.s32 $0x13800  }
0xa0: {  	[tilespmem:s29], [sflag:$0x2] =	stream.indirect_vreg.gather [hbm4b:s1+s3], $0x80, v3, vm0, $0xb8;
	[tilespmem:$0x16800] =	vst v63  }
0xa1: {  	s30 =	simm.s32 $0x14000  }
0xa2: {  	[tilespmem:s30], [sflag:$0x2] =	stream.indirect_vreg.gather [hbm4b:s5+s3], $0x80, v3, vm0, $0xb8;
	[tilespmem:$0x16800] =	vst v63  }
0xa3: {  	v3 =	vld [tilespmem:$0xC0];
	_ =	sdelay $0x4  }
0xa4: {  	v63 =	vshll.u32 v3, $0x2  }
0xa5: {  	v3 =	vand.u32 $0x7, v3;
	v4 =	vand.u32 $0xFFFFFFE0, v63  }
0xa6: {  	v3 =	vor.u32 v3, v4  }
0xa7: {  	v4 =	vperm.xlane v3, v0;
	_ =	sdelay $0x1  }
0xa8: {  	s31 =	simm.s32 $0x14800;
	v4 =	vadd.s32 v1, v4  }
0xa9: {  	s28 =	simm.s32 $0x0;
	s2 =	simm.s32 $0x15800;
	s0 =	simm.s32 $0x16000  }
0xaa: {  	s4 =	simm.s32 $0x4800;
	s6 =	simm.s32 $0x5000;
	s7 =	simm.s32 $0x5800;
	v3 =	vperm.xlane v3, v2  }
0xab: {  	s8 =	simm.s32 $0x6000;
	s11 =	simm.s32 $0x6800;
	s12 =	simm.s32 $0x7000  }
0xac: {  	s13 =	simm.s32 $0x7800;
	s14 =	simm.s32 $0x8000;
	s10 =	simm.s32 $0x15000;
	v3 =	vadd.s32 v1, v3  }
0xad: {  	[tilespmem:s31], [sflag:$0x2] =	stream.indirect_vreg.gather [hbm4b:s1+s3], $0x80, v4, vm0, $0xb8;
	[tilespmem:$0x16800] =	vst v63  }
0xae: {  	s15 =	simm.s32 $0x8800;
	s16 =	simm.s32 $0x9000;
	s17 =	simm.s32 $0x9800  }
0xaf: {  	[tilespmem:s10], [sflag:$0x2] =	stream.indirect_vreg.gather [hbm4b:s5+s3], $0x80, v4, vm0, $0xb8;
	[tilespmem:$0x16800] =	vst v63  }
0xb0: {  	s18 =	simm.s32 $0xA000;
	s19 =	simm.s32 $0xA800;
	s20 =	simm.s32 $0xB000  }
0xb1: {  	[tilespmem:s2], [sflag:$0x2] =	stream.indirect_vreg.gather [hbm4b:s1+s3], $0x80, v3, vm0, $0xb8;
	[tilespmem:$0x16800] =	vst v63  }
0xb2: {  	s21 =	simm.s32 $0xB800;
	s22 =	simm.s32 $0xC000;
	s26 =	simm.s32 $0x1C0  }
0xb3: {  	[tilespmem:s0], [sflag:$0x2] =	stream.indirect_vreg.gather [hbm4b:s5+s3], $0x80, v3, vm0, $0xb8;
	[tilespmem:$0x16800] =	vst v63  }
.LBB2_2:
0xb4: {  	_ =	swait.ge [sflag:s24], $0xA000  }
0xb5: {  	s29 =	rddreg [dreg:$0x4];
	[sflag:s24] =	ssyncset.done $0x0  }
0xb6: {  	s23 =	simm.s32 $0x2800;
	[sflag:s24] =	ssyncadd.s32 $0xFFFF6000;
	s29 =	sadd.s32 s28, s29  }
0xb7: {  	[hbm4b:s29+s3] =	stream.linear.scatter [tilespmem:s23], [sflag:$0x3], $0xA000, $0x38;
	[tilespmem:$0x16800] =	vst v63  }
0xb8: {  	_ =	swait.ge [sflag:s9], $0xA000  }
0xb9: {  	[sflag:s9] =	ssyncset.done $0x0  }
0xba: {  	[sflag:s9] =	ssyncadd.s32 $0xFFFF6000  }
0xbb: {  	v3 =	vld [tilespmem:s26+$0xFFFFFF40];
	_ =	sdelay $0x4  }
0xbc: {  	v4 =	vshll.u32 v3, $0x2  }
0xbd: {  	v3 =	vand.u32 $0x7, v3;
	v4 =	vand.u32 $0xFFFFFFE0, v4  }
0xbe: {  	v3 =	vor.u32 v3, v4  }
0xbf: {  	v4 =	vperm.xlane v3, v0;
	_ =	sdelay $0x1  }
0xc0: {  	v4 =	vadd.s32 v1, v4;
	_ =	sdelay $0x1  }
0xc1: {  	v3 =	vperm.xlane v3, v2;
	_ =	sdelay $0x1  }
0xc2: {  	v3 =	vadd.s32 v1, v3  }
0xc3: {  	[tilespmem:s23], [sflag:$0x1] =	stream.indirect_vreg.gather [hbm4b:s1+s3], $0x80, v4, vm0, $0xb8;
	[tilespmem:$0x16800] =	vst v63  }
0xc4: {  	s30 =	simm.s32 $0x3000  }
0xc5: {  	[tilespmem:s30], [sflag:$0x1] =	stream.indirect_vreg.gather [hbm4b:s5+s3], $0x80, v4, vm0, $0xb8;
	[tilespmem:$0x16800] =	vst v63  }
0xc6: {  	s30 =	simm.s32 $0x3800  }
0xc7: {  	[tilespmem:s30], [sflag:$0x1] =	stream.indirect_vreg.gather [hbm4b:s1+s3], $0x80, v3, vm0, $0xb8;
	[tilespmem:$0x16800] =	vst v63  }
0xc8: {  	s30 =	simm.s32 $0x4000  }
0xc9: {  	[tilespmem:s30], [sflag:$0x1] =	stream.indirect_vreg.gather [hbm4b:s5+s3], $0x80, v3, vm0, $0xb8;
	[tilespmem:$0x16800] =	vst v63  }
0xca: {  	v3 =	vld [tilespmem:s26+$0xFFFFFF50];
	_ =	sdelay $0x4  }
0xcb: {  	v55 =	vshll.u32 v3, $0x2  }
0xcc: {  	v3 =	vand.u32 $0x7, v3;
	v4 =	vand.u32 $0xFFFFFFE0, v55  }
0xcd: {  	v3 =	vor.u32 v3, v4  }
0xce: {  	v4 =	vperm.xlane v3, v0;
	_ =	sdelay $0x1  }
0xcf: {  	v4 =	vadd.s32 v1, v4;
	_ =	sdelay $0x1  }
0xd0: {  	v3 =	vperm.xlane v3, v2;
	_ =	sdelay $0x1  }
0xd1: {  	v3 =	vadd.s32 v1, v3  }
0xd2: {  	[tilespmem:s4], [sflag:$0x1] =	stream.indirect_vreg.gather [hbm4b:s1+s3], $0x80, v4, vm0, $0xb8;
	[tilespmem:$0x16800] =	vst v63  }
0xd3: {  	_ = 	snop  }
0xd4: {  	[tilespmem:s6], [sflag:$0x1] =	stream.indirect_vreg.gather [hbm4b:s5+s3], $0x80, v4, vm0, $0xb8;
	[tilespmem:$0x16800] =	vst v63  }
0xd5: {  	_ = 	snop  }
0xd6: {  	[tilespmem:s7], [sflag:$0x1] =	stream.indirect_vreg.gather [hbm4b:s1+s3], $0x80, v3, vm0, $0xb8;
	[tilespmem:$0x16800] =	vst v63  }
0xd7: {  	_ = 	snop  }
0xd8: {  	[tilespmem:s8], [sflag:$0x1] =	stream.indirect_vreg.gather [hbm4b:s5+s3], $0x80, v3, vm0, $0xb8;
	[tilespmem:$0x16800] =	vst v63  }
0xd9: {  	v3 =	vld [tilespmem:s26+$0xFFFFFF60];
	_ =	sdelay $0x4  }
0xda: {  	v56 =	vshll.u32 v3, $0x2  }
0xdb: {  	v3 =	vand.u32 $0x7, v3;
	v4 =	vand.u32 $0xFFFFFFE0, v56  }
0xdc: {  	v3 =	vor.u32 v3, v4  }
0xdd: {  	v4 =	vperm.xlane v3, v0;
	_ =	sdelay $0x1  }
0xde: {  	v4 =	vadd.s32 v1, v4;
	_ =	sdelay $0x1  }
0xdf: {  	v3 =	vperm.xlane v3, v2;
	_ =	sdelay $0x1  }
0xe0: {  	v3 =	vadd.s32 v1, v3  }
0xe1: {  	[tilespmem:s11], [sflag:$0x1] =	stream.indirect_vreg.gather [hbm4b:s1+s3], $0x80, v4, vm0, $0xb8;
	[tilespmem:$0x16800] =	vst v63  }
0xe2: {  	_ = 	snop  }
0xe3: {  	[tilespmem:s12], [sflag:$0x1] =	stream.indirect_vreg.gather [hbm4b:s5+s3], $0x80, v4, vm0, $0xb8;
	[tilespmem:$0x16800] =	vst v63  }
0xe4: {  	_ = 	snop  }
0xe5: {  	[tilespmem:s13], [sflag:$0x1] =	stream.indirect_vreg.gather [hbm4b:s1+s3], $0x80, v3, vm0, $0xb8;
	[tilespmem:$0x16800] =	vst v63  }
0xe6: {  	_ = 	snop  }
0xe7: {  	[tilespmem:s14], [sflag:$0x1] =	stream.indirect_vreg.gather [hbm4b:s5+s3], $0x80, v3, vm0, $0xb8;
	[tilespmem:$0x16800] =	vst v63  }
0xe8: {  	v3 =	vld [tilespmem:s26+$0xFFFFFF70];
	_ =	sdelay $0x4  }
0xe9: {  	v57 =	vshll.u32 v3, $0x2  }
0xea: {  	v3 =	vand.u32 $0x7, v3;
	v4 =	vand.u32 $0xFFFFFFE0, v57  }
0xeb: {  	v3 =	vor.u32 v3, v4  }
0xec: {  	v4 =	vperm.xlane v3, v0;
	_ =	sdelay $0x1  }
0xed: {  	v4 =	vadd.s32 v1, v4;
	_ =	sdelay $0x1  }
0xee: {  	v3 =	vperm.xlane v3, v2;
	_ =	sdelay $0x1  }
0xef: {  	v3 =	vadd.s32 v1, v3  }
0xf0: {  	[tilespmem:s15], [sflag:$0x1] =	stream.indirect_vreg.gather [hbm4b:s1+s3], $0x80, v4, vm0, $0xb8;
	[tilespmem:$0x16800] =	vst v63  }
0xf1: {  	_ = 	snop  }
0xf2: {  	[tilespmem:s16], [sflag:$0x1] =	stream.indirect_vreg.gather [hbm4b:s5+s3], $0x80, v4, vm0, $0xb8;
	[tilespmem:$0x16800] =	vst v63  }
0xf3: {  	_ = 	snop  }
0xf4: {  	[tilespmem:s17], [sflag:$0x1] =	stream.indirect_vreg.gather [hbm4b:s1+s3], $0x80, v3, vm0, $0xb8;
	[tilespmem:$0x16800] =	vst v63  }
0xf5: {  	_ = 	snop  }
0xf6: {  	[tilespmem:s18], [sflag:$0x1] =	stream.indirect_vreg.gather [hbm4b:s5+s3], $0x80, v3, vm0, $0xb8;
	[tilespmem:$0x16800] =	vst v63  }
0xf7: {  	v3 =	vld [tilespmem:s26+$0xFFFFFF80];
	_ =	sdelay $0x4  }
0xf8: {  	v58 =	vshll.u32 v3, $0x2  }
0xf9: {  	v3 =	vand.u32 $0x7, v3;
	v4 =	vand.u32 $0xFFFFFFE0, v58  }
0xfa: {  	v3 =	vor.u32 v3, v4  }
0xfb: {  	v4 =	vperm.xlane v3, v0;
	_ =	sdelay $0x1  }
0xfc: {  	v4 =	vadd.s32 v1, v4;
	_ =	sdelay $0x1  }
0xfd: {  	v3 =	vperm.xlane v3, v2;
	_ =	sdelay $0x1  }
0xfe: {  	v3 =	vadd.s32 v1, v3  }
0xff: {  	[tilespmem:s19], [sflag:$0x1] =	stream.indirect_vreg.gather [hbm4b:s1+s3], $0x80, v4, vm0, $0xb8;
	[tilespmem:$0x16800] =	vst v63  }
0x100: {  	_ = 	snop  }
0x101: {  	[tilespmem:s20], [sflag:$0x1] =	stream.indirect_vreg.gather [hbm4b:s5+s3], $0x80, v4, vm0, $0xb8;
	[tilespmem:$0x16800] =	vst v63  }
0x102: {  	_ = 	snop  }
0x103: {  	[tilespmem:s21], [sflag:$0x1] =	stream.indirect_vreg.gather [hbm4b:s1+s3], $0x80, v3, vm0, $0xb8;
	[tilespmem:$0x16800] =	vst v63  }
0x104: {  	_ = 	snop  }
0x105: {  	[tilespmem:s22], [sflag:$0x1] =	stream.indirect_vreg.gather [hbm4b:s5+s3], $0x80, v3, vm0, $0xb8;
	[tilespmem:$0x16800] =	vst v63  }
0x106: {  	_ =	swait.ge [sflag:s25], $0xA000  }
0x107: {  	[sflag:s25] =	ssyncset.done $0x0  }
0x108: {  	s29 =	sadd.s32 $0x1400, s29;
	s30 =	simm.s32 $0xC800;
	[sflag:s25] =	ssyncadd.s32 $0xFFFF6000  }
0x109: {  	[hbm4b:s29+s3] =	stream.linear.scatter [tilespmem:s30], [sflag:$0x3], $0xA000, $0x38;
	[tilespmem:$0x16800] =	vst v63  }
0x10a: {  	_ =	swait.ge [sflag:s9], $0xA000  }
0x10b: {  	[sflag:s9] =	ssyncset.done $0x0  }
0x10c: {  	[sflag:s9] =	ssyncadd.s32 $0xFFFF6000  }
0x10d: {  	v3 =	vld [tilespmem:s26+$0xFFFFFFC0];
	_ =	sdelay $0x4  }
0x10e: {  	v59 =	vshll.u32 v3, $0x2  }
0x10f: {  	v3 =	vand.u32 $0x7, v3;
	v4 =	vand.u32 $0xFFFFFFE0, v59  }
0x110: {  	v3 =	vor.u32 v3, v4  }
0x111: {  	v4 =	vperm.xlane v3, v0;
	_ =	sdelay $0x1  }
0x112: {  	v4 =	vadd.s32 v1, v4;
	_ =	sdelay $0x1  }
0x113: {  	v3 =	vperm.xlane v3, v2;
	_ =	sdelay $0x1  }
0x114: {  	v3 =	vadd.s32 v1, v3  }
0x115: {  	[tilespmem:s30], [sflag:$0x2] =	stream.indirect_vreg.gather [hbm4b:s1+s3], $0x80, v4, vm0, $0xb8;
	[tilespmem:$0x16800] =	vst v63  }
0x116: {  	s29 =	simm.s32 $0xD000  }
0x117: {  	[tilespmem:s29], [sflag:$0x2] =	stream.indirect_vreg.gather [hbm4b:s5+s3], $0x80, v4, vm0, $0xb8;
	[tilespmem:$0x16800] =	vst v63  }
0x118: {  	s30 =	simm.s32 $0xD800  }
0x119: {  	[tilespmem:s30], [sflag:$0x2] =	stream.indirect_vreg.gather [hbm4b:s1+s3], $0x80, v3, vm0, $0xb8;
	[tilespmem:$0x16800] =	vst v63  }
0x11a: {  	s30 =	simm.s32 $0xE000  }
0x11b: {  	[tilespmem:s30], [sflag:$0x2] =	stream.indirect_vreg.gather [hbm4b:s5+s3], $0x80, v3, vm0, $0xb8;
	[tilespmem:$0x16800] =	vst v63  }
0x11c: {  	v3 =	vld [tilespmem:s26+$0xFFFFFFD0];
	_ =	sdelay $0x4  }
0x11d: {  	v60 =	vshll.u32 v3, $0x2  }
0x11e: {  	v3 =	vand.u32 $0x7, v3;
	v4 =	vand.u32 $0xFFFFFFE0, v60  }
0x11f: {  	v3 =	vor.u32 v3, v4  }
0x120: {  	v4 =	vperm.xlane v3, v0;
	_ =	sdelay $0x1  }
0x121: {  	v4 =	vadd.s32 v1, v4;
	_ =	sdelay $0x1  }
0x122: {  	v3 =	vperm.xlane v3, v2;
	_ =	sdelay $0x1  }
0x123: {  	s30 =	simm.s32 $0xE800;
	v3 =	vadd.s32 v1, v3  }
0x124: {  	[tilespmem:s30], [sflag:$0x2] =	stream.indirect_vreg.gather [hbm4b:s1+s3], $0x80, v4, vm0, $0xb8;
	[tilespmem:$0x16800] =	vst v63  }
0x125: {  	s30 =	simm.s32 $0xF000  }
0x126: {  	[tilespmem:s30], [sflag:$0x2] =	stream.indirect_vreg.gather [hbm4b:s5+s3], $0x80, v4, vm0, $0xb8;
	[tilespmem:$0x16800] =	vst v63  }
0x127: {  	s30 =	simm.s32 $0xF800  }
0x128: {  	[tilespmem:s30], [sflag:$0x2] =	stream.indirect_vreg.gather [hbm4b:s1+s3], $0x80, v3, vm0, $0xb8;
	[tilespmem:$0x16800] =	vst v63  }
0x129: {  	s30 =	simm.s32 $0x10000  }
0x12a: {  	[tilespmem:s30], [sflag:$0x2] =	stream.indirect_vreg.gather [hbm4b:s5+s3], $0x80, v3, vm0, $0xb8;
	[tilespmem:$0x16800] =	vst v63  }
0x12b: {  	v3 =	vld [tilespmem:s26+$0xFFFFFFE0];
	_ =	sdelay $0x4  }
0x12c: {  	v61 =	vshll.u32 v3, $0x2  }
0x12d: {  	v3 =	vand.u32 $0x7, v3;
	v4 =	vand.u32 $0xFFFFFFE0, v61  }
0x12e: {  	v3 =	vor.u32 v3, v4  }
0x12f: {  	v4 =	vperm.xlane v3, v0;
	_ =	sdelay $0x1  }
0x130: {  	v4 =	vadd.s32 v1, v4;
	_ =	sdelay $0x1  }
0x131: {  	v3 =	vperm.xlane v3, v2;
	_ =	sdelay $0x1  }
0x132: {  	s30 =	simm.s32 $0x10800;
	v3 =	vadd.s32 v1, v3  }
0x133: {  	[tilespmem:s30], [sflag:$0x2] =	stream.indirect_vreg.gather [hbm4b:s1+s3], $0x80, v4, vm0, $0xb8;
	[tilespmem:$0x16800] =	vst v63  }
0x134: {  	s30 =	simm.s32 $0x11000  }
0x135: {  	[tilespmem:s30], [sflag:$0x2] =	stream.indirect_vreg.gather [hbm4b:s5+s3], $0x80, v4, vm0, $0xb8;
	[tilespmem:$0x16800] =	vst v63  }
0x136: {  	s30 =	simm.s32 $0x11800  }
0x137: {  	[tilespmem:s30], [sflag:$0x2] =	stream.indirect_vreg.gather [hbm4b:s1+s3], $0x80, v3, vm0, $0xb8;
	[tilespmem:$0x16800] =	vst v63  }
0x138: {  	s30 =	simm.s32 $0x12000  }
0x139: {  	[tilespmem:s30], [sflag:$0x2] =	stream.indirect_vreg.gather [hbm4b:s5+s3], $0x80, v3, vm0, $0xb8;
	[tilespmem:$0x16800] =	vst v63  }
0x13a: {  	v3 =	vld [tilespmem:s26+$0xFFFFFFF0];
	_ =	sdelay $0x4  }
0x13b: {  	v62 =	vshll.u32 v3, $0x2  }
0x13c: {  	v3 =	vand.u32 $0x7, v3;
	v4 =	vand.u32 $0xFFFFFFE0, v62  }
0x13d: {  	v3 =	vor.u32 v3, v4  }
0x13e: {  	v4 =	vperm.xlane v3, v0;
	_ =	sdelay $0x1  }
0x13f: {  	v4 =	vadd.s32 v1, v4;
	_ =	sdelay $0x1  }
0x140: {  	v3 =	vperm.xlane v3, v2;
	_ =	sdelay $0x1  }
0x141: {  	s30 =	simm.s32 $0x12800;
	v3 =	vadd.s32 v1, v3  }
0x142: {  	[tilespmem:s30], [sflag:$0x2] =	stream.indirect_vreg.gather [hbm4b:s1+s3], $0x80, v4, vm0, $0xb8;
	[tilespmem:$0x16800] =	vst v63  }
0x143: {  	s30 =	simm.s32 $0x13000  }
0x144: {  	[tilespmem:s30], [sflag:$0x2] =	stream.indirect_vreg.gather [hbm4b:s5+s3], $0x80, v4, vm0, $0xb8;
	[tilespmem:$0x16800] =	vst v63  }
0x145: {  	s30 =	simm.s32 $0x13800  }
0x146: {  	[tilespmem:s30], [sflag:$0x2] =	stream.indirect_vreg.gather [hbm4b:s1+s3], $0x80, v3, vm0, $0xb8;
	[tilespmem:$0x16800] =	vst v63  }
0x147: {  	s30 =	simm.s32 $0x14000  }
0x148: {  	[tilespmem:s30], [sflag:$0x2] =	stream.indirect_vreg.gather [hbm4b:s5+s3], $0x80, v3, vm0, $0xb8;
	[tilespmem:$0x16800] =	vst v63  }
0x149: {  	v3 =	vld [tilespmem:s26+$0x0];
	_ =	sdelay $0x4  }
0x14a: {  	v63 =	vshll.u32 v3, $0x2  }
0x14b: {  	v3 =	vand.u32 $0x7, v3;
	v4 =	vand.u32 $0xFFFFFFE0, v63  }
0x14c: {  	v3 =	vor.u32 v3, v4  }
0x14d: {  	v4 =	vperm.xlane v3, v0;
	_ =	sdelay $0x1  }
0x14e: {  	v4 =	vadd.s32 v1, v4;
	_ =	sdelay $0x2  }
0x14f: {  	v3 =	vperm.xlane v3, v2  }
0x150: {  	s30 =	simm.s32 $0x14800  }
0x151: {  	v3 =	vadd.s32 v1, v3;
	[tilespmem:s30], [sflag:$0x2] =	stream.indirect_vreg.gather [hbm4b:s1+s3], $0x80, v4, vm0, $0xb8;
	[tilespmem:$0x16800] =	vst v63  }
0x152: {  	p0 =	sne.s32 s28, $0x5F000  }
0x153: {  	[tilespmem:s10], [sflag:$0x2] =	stream.indirect_vreg.gather [hbm4b:s5+s3], $0x80, v4, vm0, $0xb8;
	[tilespmem:$0x16800] =	vst v63  }
.Ltmp0:
0x154: {  	_ = 	snop;
	(pc) =	sbr.rel @p0 .LBB2_2-.Ltmp0, $4  }
0x155: {  	s31 =	simm.s32 $0x2800  }
0x156: {  	[tilespmem:s2], [sflag:$0x2] =	stream.indirect_vreg.gather [hbm4b:s1+s3], $0x80, v3, vm0, $0xb8;
	[tilespmem:$0x16800] =	vst v63  }
0x157: {  	s28 =	sadd.s32 $0x2800, s28;
	s23 =	simm.s32 $0xC800;
	s26 =	sadd.s32 $0x100, s26  }
0x158: {  	[tilespmem:s0], [sflag:$0x2] =	stream.indirect_vreg.gather [hbm4b:s5+s3], $0x80, v3, vm0, $0xb8;
	[tilespmem:$0x16800] =	vst v63  }
0x159: {  	_ =	swait.ge [sflag:s24], $0xA000  }
0x15a: {  	[sflag:s24] =	ssyncset.done $0x0  }
0x15b: {  	s26 =	rddreg [dreg:$0x6];
	[sflag:s24] =	ssyncadd.s32 $0xFFFF6000  }
0x15c: {  	[hbm4b:s26+s3] =	stream.linear.scatter [tilespmem:s31], [sflag:$0x3], $0xA000, $0x38;
	[tilespmem:$0x16800] =	vst v63  }
0x15d: {  	_ =	swait.ge [sflag:s9], $0xA000  }
0x15e: {  	[sflag:s9] =	ssyncset.done $0x0  }
0x15f: {  	[sflag:s9] =	ssyncadd.s32 $0xFFFF6000  }
0x160: {  	_ =	swait.ge [sflag:s25], $0xA000  }
0x161: {  	s28 =	simm.s32 $0x3000;
	s2 =	simm.s32 $0x3800;
	[sflag:s25] =	ssyncset.done $0x0  }
0x162: {  	s4 =	simm.s32 $0x4800;
	s21 =	rddreg [dreg:$0x7];
	[sflag:s25] =	ssyncadd.s32 $0xFFFF6000  }
0x163: {  	[hbm4b:s21+s3] =	stream.linear.scatter [tilespmem:s23], [sflag:$0x3], $0xA000, $0x38;
	[tilespmem:$0x16800] =	vst v63  }
0x164: {  	s6 =	simm.s32 $0x5000;
	s7 =	simm.s32 $0x5800;
	_ =	swait.ge [sflag:s9], $0xA000  }
0x165: {  	s8 =	simm.s32 $0x6000;
	s11 =	simm.s32 $0x6800;
	s0 =	rddreg [dreg:$0x9]  }
0x166: {  	s12 =	simm.s32 $0x7000;
	s22 =	rddreg [dreg:$0x8];
	s0 =	sadd.s32 $0x1, s0  }
0x167: {  	s13 =	simm.s32 $0x7800;
	s14 =	simm.s32 $0x8000;
	p0 =	sne.s32 s0, s22  }
.Ltmp1:
0x168: {  	s15 =	simm.s32 $0x8800;
	s16 =	simm.s32 $0x9000;
	(pc) =	sbr.rel @p0 .LBB2_1-.Ltmp1, $4  }
0x169: {  	s17 =	simm.s32 $0x9800;
	s18 =	simm.s32 $0xA000;
	s19 =	simm.s32 $0xA800  }
0x16a: {  	s20 =	simm.s32 $0xB000;
	s30 =	simm.s32 $0xD800;
	[sflag:s9] =	ssyncset.done $0x0  }
0x16b: {  	s10 =	simm.s32 $0xE000;
	s21 =	simm.s32 $0xB800;
	[sflag:s9] =	ssyncadd.s32 $0xFFFF6000  }
0x16c: {  	[dreg:$0x9] =	wrdreg s0;
	s0 =	simm.s32 $0x4000;
	s22 =	simm.s32 $0xC000  }
0x16d: {  	_ =	sfence.sel $0x180000  }
0x16e: {  	[bflag:$0x0] =	sbarrier.arrive $0xFFFF  }
0x16f: {  	_ =	strace $0x90000047  }
0x170: {  	s0 =	stileid.u32;
	[bflag:$0x2] =	sbarrier.arrive $0xFFFF  }
0x171: {  	p0 =	sne.s32 s0, $0x0;
	s0 =	rddreg [dreg:$0x3]  }
0x172: {  	s0 =	sadd.s32 @!p0 $0x100000, s0  }
0x173: {  	[sflag:s0] =	ssyncadd.tile.s32 @!p0 $0x1;
	_ =	shalt  }
.Lfunc_end2:
_tile_overlayer_lowered:
.L_overlay_start_2:
0x174: {  	(tag) =	ssettag $0x2  }
0x175: {  	s0 =	rddreg [dreg:$0x0];
	s2 =	stileid.u32  }
0x176: {  	s1 =	rddreg [dreg:$0x1];
	p0 =	sne.s32 s2, $0x0  }
0x177: {  	s3 =	rddreg [dreg:$0x2];
	[bflag:$0x3] =	sbarrier.arrive $0xFFFF;
	s2 =	simm.s32 @!p0 $0x1C03  }
0x178: {  	[timem:s3], [sflag:s2] =	dma.local @!p0 [hbm:s0], s1  }
0x179: {  	s0 =	simm.s32 @!p0 $0x3  }
0x17a: {  	_ =	swait.ge @!p0 [sflag:s0], s1  }
0x17b: {  	s1 =	ssub.s32 @!p0 $0x0, s1;
	[sflag:s0] =	ssyncset.done @!p0 $0x0  }
0x17c: {  	[sflag:s0] =	ssyncadd.s32 @!p0 s1  }
0x17d: {  	[bflag:$0x3] =	sbarrier.arrive $0xFFFF  }
0x17e: {  	_ =	shalt  }

</sc_bundles>
